<compile_context>
chip_gen: v7x
topology: tpu7x:2x2x1
jax: 0.10.2.dev20260603
libtpu: 0.0.44.dev20260713+nightly
codegen_flags: <defaults>
</compile_context>

<pallas_src>
import functools

import jax
import jax.numpy as jnp
from jax.experimental import pallas as pl
from jax.experimental.pallas import tpu as pltpu

NUM_SEL = 5
BLOCK_N = 512


def _score_body(v_ref, w_ref, s_ref):
    v = v_ref[0]
    w = w_ref[...]
    s = jax.lax.dot_general(v, w, (((1,), (1,)), ((), ())),
                            precision=jax.lax.Precision.HIGHEST,
                            preferred_element_type=jnp.float32)
    s_ref[0, 0, :] = s[:, 0]


def _topk_body(s_ref, idx_ref, n):
    s = s_ref[0]
    iota = jax.lax.broadcasted_iota(jnp.int32, (1, n), 1)
    lane = jax.lax.broadcasted_iota(jnp.int32, (1, 8), 1)
    out = jnp.zeros((1, 8), jnp.int32)
    for k in range(NUM_SEL):
        m = jnp.max(s)
        am = jnp.min(jnp.where(s == m, iota, n))
        out = jnp.where(lane == k, am, out)
        s = jnp.where(iota == am, -jnp.inf, s)
    idx_ref[0] = out


def _gather_body(idx_ref, v_ref, o_ref):
    o_ref[...] = v_ref[...]


def kernel(value, W, b):
    del b
    B, N, D = value.shape
    nb = N // BLOCK_N

    scores = pl.pallas_call(
        _score_body,
        grid=(B, nb),
        in_specs=[
            pl.BlockSpec((1, BLOCK_N, D), lambda i, j: (i, j, 0)),
            pl.BlockSpec((1, D), lambda i, j: (0, 0)),
        ],
        out_specs=pl.BlockSpec((1, 1, BLOCK_N), lambda i, j: (i, 0, j)),
        out_shape=jax.ShapeDtypeStruct((B, 1, N), jnp.float32),
    )(value, W)

    idx = pl.pallas_call(
        functools.partial(_topk_body, n=N),
        grid=(B,),
        in_specs=[pl.BlockSpec((1, 1, N), lambda i: (i, 0, 0))],
        out_specs=pl.BlockSpec((1, 1, 8), lambda i: (i, 0, 0)),
        out_shape=jax.ShapeDtypeStruct((B, 1, 8), jnp.int32),
    )(scores)

    idx2d = idx[:, 0, :]

    v4 = value.reshape(B, N, 8, D // 8)
    out = pl.pallas_call(
        _gather_body,
        grid_spec=pltpu.PrefetchScalarGridSpec(
            num_scalar_prefetch=1,
            grid=(B, NUM_SEL),
            in_specs=[pl.BlockSpec((1, 1, 8, D // 8),
                                   lambda i, k, idx_s: (i, idx_s[i, k], 0, 0))],
            out_specs=pl.BlockSpec((1, 1, 8, D // 8),
                                   lambda i, k, idx_s: (i, k, 0, 0)),
        ),
        out_shape=jax.ShapeDtypeStruct((B, NUM_SEL, 8, D // 8), jnp.float32),
    )(idx2d, v4)

    return out.reshape(B, NUM_SEL, D)

# --- scband reference (transcript-rebuilt; emitter-appended) ---
"""Pipeline reference for scband-my-model-61933428409198 (READ-ONLY COPY).

The authoritative reference and input builder live on the scoring server;
editing this copy changes nothing except your own understanding.
"""

import jax, jax.numpy as jnp
import numpy as np

NUM_CXT = 5

def setup_inputs(seed: int = 0) -> dict:
    key = jax.random.key(seed)
    k1, k2, k3 = jax.random.split(key, 3)
    value = jax.random.normal(k1, (16, 4096, 2048), dtype=jnp.float32)
    # nn.Linear(2048, 1): weight [1, 2048], bias [1]
    W = jax.random.normal(k2, (1, 2048), dtype=jnp.float32) * (1.0 / np.sqrt(2048.0))
    b = jax.random.normal(k3, (1,), dtype=jnp.float32) * 0.01
    return {"value": value, "W": W, "b": b}

def reference(value, W, b):
    # weights = self.fc(value).squeeze(-1)
    weights = (jnp.einsum('bnd,od->bno', value, W) + b).squeeze(-1)  # [B, N]
    # _, idx = torch.topk(weights, num_cxt, dim=1)
    _, idx = jax.lax.top_k(weights, NUM_CXT)  # idx: [B, num_cxt]
    # gather along dim=1
    candidate_value = jnp.take_along_axis(value, idx[:, :, None], axis=1)  # [B, num_cxt, d]
    return candidate_value

if __name__ == "__main__":
    import jax
    _d = setup_inputs()
    print(jax.jit(kernel)(*tuple(_d.values())))

</pallas_src>

<mosaic_0001>
module attributes {stable_mosaic.version = 14 : i64} {
  func.func @_gather_body(%arg0: i32, %arg1: i32, %arg2: memref<16x8xi32, #tpu.memory_space<smem>>, %arg3: memref<1x1x8x256xf32, #tpu.memory_space<vmem>>, %arg4: memref<1x1x8x256xf32, #tpu.memory_space<vmem>>) attributes {dimension_semantics = [#tpu.dimension_semantics<arbitrary>, #tpu.dimension_semantics<arbitrary>], iteration_bounds = array<i64: 16, 5>, scalar_prefetch = 1 : i64, scratch_operands = 0 : i64, tpu.core_type = #tpu.core_type<tc>, window_params = [{transform_indices = @transform_0, window_bounds = array<i64: 1, 1, 8, 256>}, {transform_indices = @transform_1, window_bounds = array<i64: 1, 1, 8, 256>}]} {
    %get3A = arith.constant 0 : index
    %get3A_0 = arith.constant 0 : index
    %get3A_1 = arith.constant 0 : index
    %get3A_2 = arith.constant 0 : index
    %get3A_3 = vector.load %arg3[%get3A, %get3A_0, %get3A_1, %get3A_2] : memref<1x1x8x256xf32, #tpu.memory_space<vmem>>, vector<1x1x8x256xf32>
    %swap3A = arith.constant 0 : index
    %swap3A_4 = arith.constant 0 : index
    %swap3A_5 = arith.constant 0 : index
    %swap3A_6 = arith.constant 0 : index
    %swap3A_7 = vector.load %arg4[%swap3A, %swap3A_4, %swap3A_5, %swap3A_6] : memref<1x1x8x256xf32, #tpu.memory_space<vmem>>, vector<1x1x8x256xf32>
    tpu.vector_store %arg4[%swap3A, %swap3A_4, %swap3A_5, %swap3A_6], %get3A_3 {strides = array<i32>} : memref<1x1x8x256xf32, #tpu.memory_space<vmem>>, vector<1x1x8x256xf32>,
    return
  }
  func.func @transform_0(%arg0: i32, %arg1: i32, %arg2: memref<16x8xi32, #tpu.memory_space<smem>>) -> (i32, i32, i32, i32) {
    %get3A = arith.index_cast %arg0 : i32 to index
    %get3A_0 = arith.index_cast %arg1 : i32 to index
    %get3A_1 = memref.load %arg2[%get3A, %get3A_0] : memref<16x8xi32, #tpu.memory_space<smem>>
    %c0_i32 = arith.constant 0 : i32
    %c0_i32_2 = arith.constant 0 : i32
    %c0_i32_3 = arith.constant 0 : i32
    return %arg0, %get3A_1, %c0_i32, %c0_i32_2 : i32, i32, i32, i32
  }
  func.func @transform_1(%arg0: i32, %arg1: i32, %arg2: memref<16x8xi32, #tpu.memory_space<smem>>) -> (i32, i32, i32, i32) {
    %c0_i32 = arith.constant 0 : i32
    %c0_i32_0 = arith.constant 0 : i32
    %c0_i32_1 = arith.constant 0 : i32
    return %arg0, %arg1, %c0_i32, %c0_i32_0 : i32, i32, i32, i32
  }
}

module attributes {stable_mosaic.version = 14 : i64} {
  func.func @_score_body(%arg0: i32, %arg1: i32, %arg2: memref<1x512x2048xf32, #tpu.memory_space<vmem>>, %arg3: memref<1x2048xf32, #tpu.memory_space<vmem>>, %arg4: memref<1x1x512xf32, #tpu.memory_space<vmem>>) attributes {dimension_semantics = [#tpu.dimension_semantics<arbitrary>, #tpu.dimension_semantics<arbitrary>], iteration_bounds = array<i64: 16, 8>, scalar_prefetch = 0 : i64, scratch_operands = 0 : i64, tpu.core_type = #tpu.core_type<tc>, window_params = [{transform_indices = @transform_0, window_bounds = array<i64: 1, 512, 2048>}, {pipeline_mode = #tpu.pipeline_mode<synchronous>, transform_indices = @transform_1, window_bounds = array<i64: 1, 2048>}, {transform_indices = @transform_2, window_bounds = array<i64: 1, 1, 512>}]} {
    %get3A = arith.constant 0 : index
    %get3A_0 = arith.constant 0 : index
    %get3A_1 = arith.constant 0 : index
    %get3A_2 = vector.load %arg2[%get3A, %get3A_0, %get3A_1] : memref<1x512x2048xf32, #tpu.memory_space<vmem>>, vector<1x512x2048xf32>
    %get3A_3 = vector.shape_cast %get3A_2 : vector<1x512x2048xf32> to vector<512x2048xf32>
    %get3A_4 = arith.constant 0 : index
    %get3A_5 = arith.constant 0 : index
    %get3A_6 = vector.load %arg3[%get3A_4, %get3A_5] : memref<1x2048xf32, #tpu.memory_space<vmem>>, vector<1x2048xf32>
    %dot_general3A = arith.constant dense<0.000000e+00> : vector<512x1xf32>
    %dot_general3A_7 = tpu.matmul %get3A_3, %get3A_6, %dot_general3A {dimension_numbers = #tpu.dot_dimension_numbers<[1], [1], [0], [0], [0, 0, 1, 0], [], []>, precision = #tpu.contract_precision<fp32>, transpose_lhs_hint = false} : vector<512x2048xf32>, vector<1x2048xf32>, vector<512x1xf32> -> vector<512x1xf32>
    %squeeze3A = vector.shape_cast %dot_general3A_7 : vector<512x1xf32> to vector<512xf32>
    %swap3A = arith.constant 0 : index
    %swap3A_8 = arith.constant 0 : index
    %swap3A_9 = arith.constant 0 : index
    %swap3A_10 = vector.load %arg4[%swap3A, %swap3A_8, %swap3A_9] : memref<1x1x512xf32, #tpu.memory_space<vmem>>, vector<1x1x512xf32>
    %swap3A_11 = vector.shape_cast %swap3A_10 : vector<1x1x512xf32> to vector<512xf32>
    %swap3A_12 = vector.shape_cast %squeeze3A : vector<512xf32> to vector<1x1x512xf32>
    tpu.vector_store %arg4[%swap3A, %swap3A_8, %swap3A_9], %swap3A_12 {strides = array<i32>} : memref<1x1x512xf32, #tpu.memory_space<vmem>>, vector<1x1x512xf32>,
    return
  }
  func.func @transform_0(%arg0: i32, %arg1: i32) -> (i32, i32, i32) {
    %c0_i32 = arith.constant 0 : i32
    %c0_i32_0 = arith.constant 0 : i32
    return %arg0, %arg1, %c0_i32 : i32, i32, i32
  }
  func.func @transform_1(%arg0: i32, %arg1: i32) -> (i32, i32) {
    %c0_i32 = arith.constant 0 : i32
    %c0_i32_0 = arith.constant 0 : i32
    %c0_i32_1 = arith.constant 0 : i32
    return %c0_i32, %c0_i32_0 : i32, i32
  }
  func.func @transform_2(%arg0: i32, %arg1: i32) -> (i32, i32, i32) {
    %c0_i32 = arith.constant 0 : i32
    %c0_i32_0 = arith.constant 0 : i32
    return %arg0, %c0_i32, %arg1 : i32, i32, i32
  }
}

module attributes {stable_mosaic.version = 14 : i64} {
  func.func @_topk_body(%arg0: i32, %arg1: memref<1x1x4096xf32, #tpu.memory_space<vmem>>, %arg2: memref<1x1x8xi32, #tpu.memory_space<vmem>>) attributes {dimension_semantics = [#tpu.dimension_semantics<arbitrary>], iteration_bounds = array<i64: 16>, scalar_prefetch = 0 : i64, scratch_operands = 0 : i64, tpu.core_type = #tpu.core_type<tc>, window_params = [{transform_indices = @transform_0, window_bounds = array<i64: 1, 1, 4096>}, {transform_indices = @transform_1, window_bounds = array<i64: 1, 1, 8>}]} {
    %get3A = arith.constant 0 : index
    %get3A_0 = arith.constant 0 : index
    %get3A_1 = arith.constant 0 : index
    %get3A_2 = vector.load %arg1[%get3A, %get3A_0, %get3A_1] : memref<1x1x4096xf32, #tpu.memory_space<vmem>>, vector<1x1x4096xf32>
    %get3A_3 = vector.shape_cast %get3A_2 : vector<1x1x4096xf32> to vector<1x4096xf32>
    %iota3A = tpu.iota {dimensions = array<i32: 1>} : vector<1x4096xi32>
    %iota3A_4 = tpu.iota {dimensions = array<i32: 1>} : vector<1x8xi32>
    %broadcast_in_dim3A = arith.constant 0 : i32
    %broadcast_in_dim3A_5 = vector.broadcast %broadcast_in_dim3A : i32 to vector<1x8xi32>
    %reduce_max3A = vector.shape_cast %get3A_3 : vector<1x4096xf32> to vector<1x1x4096xf32>
    %reduce_max3A_6 = arith.constant dense<0xFF800000> : vector<1xf32>
    %reduce_max3A_7 = vector.multi_reduction <maximumf>, %reduce_max3A, %reduce_max3A_6 [1, 2] : vector<1x1x4096xf32> to vector<1xf32>
    %reduce_max3A_8 = vector.shape_cast %reduce_max3A_7 : vector<1xf32> to vector<1x1x1xf32>
    %reduce_max3A_9 = vector.extract %reduce_max3A_8[0, 0, 0] : f32 from vector<1x1x1xf32>
    %eq3A = vector.broadcast %reduce_max3A_9 : f32 to vector<1x4096xf32>
    %eq3A_10 = arith.cmpf oeq, %get3A_3, %eq3A : vector<1x4096xf32>
    %jit3A = arith.constant 4096 : i32
    %broadcast_in_dim3A_11 = vector.broadcast %jit3A : i32 to vector<1x4096xi32>
    %select_n3A = arith.select %eq3A_10, %iota3A, %broadcast_in_dim3A_11 : vector<1x4096xi1>, vector<1x4096xi32>
    %reduce_min3A = vector.shape_cast %select_n3A : vector<1x4096xi32> to vector<1x1x4096xi32>
    %reduce_min3A_12 = arith.constant dense<2147483647> : vector<1xi32>
    %reduce_min3A_13 = vector.multi_reduction <minsi>, %reduce_min3A, %reduce_min3A_12 [1, 2] : vector<1x1x4096xi32> to vector<1xi32>
    %reduce_min3A_14 = vector.shape_cast %reduce_min3A_13 : vector<1xi32> to vector<1x1x1xi32>
    %reduce_min3A_15 = vector.extract %reduce_min3A_14[0, 0, 0] : i32 from vector<1x1x1xi32>
    %eq3A_16 = arith.constant 0 : i32
    %eq3A_17 = vector.broadcast %eq3A_16 : i32 to vector<1x8xi32>
    %eq3A_18 = arith.cmpi eq, %iota3A_4, %eq3A_17 : vector<1x8xi32>
    %broadcast_in_dim3A_19 = vector.broadcast %reduce_min3A_15 : i32 to vector<1x8xi32>
    %select_n3A_20 = arith.select %eq3A_18, %broadcast_in_dim3A_19, %broadcast_in_dim3A_5 : vector<1x8xi1>, vector<1x8xi32>
    %eq3A_21 = vector.broadcast %reduce_min3A_15 : i32 to vector<1x4096xi32>
    %eq3A_22 = arith.cmpi eq, %iota3A, %eq3A_21 : vector<1x4096xi32>
    %jit3A_23 = arith.constant 0xFF800000 : f32
    %broadcast_in_dim3A_24 = vector.broadcast %jit3A_23 : f32 to vector<1x4096xf32>
    %select_n3A_25 = arith.select %eq3A_22, %broadcast_in_dim3A_24, %get3A_3 : vector<1x4096xi1>, vector<1x4096xf32>
    %reduce_max3A_26 = vector.shape_cast %select_n3A_25 : vector<1x4096xf32> to vector<1x1x4096xf32>
    %reduce_max3A_27 = arith.constant dense<0xFF800000> : vector<1xf32>
    %reduce_max3A_28 = vector.multi_reduction <maximumf>, %reduce_max3A_26, %reduce_max3A_27 [1, 2] : vector<1x1x4096xf32> to vector<1xf32>
    %reduce_max3A_29 = vector.shape_cast %reduce_max3A_28 : vector<1xf32> to vector<1x1x1xf32>
    %reduce_max3A_30 = vector.extract %reduce_max3A_29[0, 0, 0] : f32 from vector<1x1x1xf32>
    %eq3A_31 = vector.broadcast %reduce_max3A_30 : f32 to vector<1x4096xf32>
    %eq3A_32 = arith.cmpf oeq, %select_n3A_25, %eq3A_31 : vector<1x4096xf32>
    %jit3A_33 = arith.constant 4096 : i32
    %broadcast_in_dim3A_34 = vector.broadcast %jit3A_33 : i32 to vector<1x4096xi32>
    %select_n3A_35 = arith.select %eq3A_32, %iota3A, %broadcast_in_dim3A_34 : vector<1x4096xi1>, vector<1x4096xi32>
    %reduce_min3A_36 = vector.shape_cast %select_n3A_35 : vector<1x4096xi32> to vector<1x1x4096xi32>
    %reduce_min3A_37 = arith.constant dense<2147483647> : vector<1xi32>
    %reduce_min3A_38 = vector.multi_reduction <minsi>, %reduce_min3A_36, %reduce_min3A_37 [1, 2] : vector<1x1x4096xi32> to vector<1xi32>
    %reduce_min3A_39 = vector.shape_cast %reduce_min3A_38 : vector<1xi32> to vector<1x1x1xi32>
    %reduce_min3A_40 = vector.extract %reduce_min3A_39[0, 0, 0] : i32 from vector<1x1x1xi32>
    %eq3A_41 = arith.constant 1 : i32
    %eq3A_42 = vector.broadcast %eq3A_41 : i32 to vector<1x8xi32>
    %eq3A_43 = arith.cmpi eq, %iota3A_4, %eq3A_42 : vector<1x8xi32>
    %broadcast_in_dim3A_44 = vector.broadcast %reduce_min3A_40 : i32 to vector<1x8xi32>
    %select_n3A_45 = arith.select %eq3A_43, %broadcast_in_dim3A_44, %select_n3A_20 : vector<1x8xi1>, vector<1x8xi32>
    %eq3A_46 = vector.broadcast %reduce_min3A_40 : i32 to vector<1x4096xi32>
    %eq3A_47 = arith.cmpi eq, %iota3A, %eq3A_46 : vector<1x4096xi32>
    %jit3A_48 = arith.constant 0xFF800000 : f32
    %broadcast_in_dim3A_49 = vector.broadcast %jit3A_48 : f32 to vector<1x4096xf32>
    %select_n3A_50 = arith.select %eq3A_47, %broadcast_in_dim3A_49, %select_n3A_25 : vector<1x4096xi1>, vector<1x4096xf32>
    %reduce_max3A_51 = vector.shape_cast %select_n3A_50 : vector<1x4096xf32> to vector<1x1x4096xf32>
    %reduce_max3A_52 = arith.constant dense<0xFF800000> : vector<1xf32>
    %reduce_max3A_53 = vector.multi_reduction <maximumf>, %reduce_max3A_51, %reduce_max3A_52 [1, 2] : vector<1x1x4096xf32> to vector<1xf32>
    %reduce_max3A_54 = vector.shape_cast %reduce_max3A_53 : vector<1xf32> to vector<1x1x1xf32>
    %reduce_max3A_55 = vector.extract %reduce_max3A_54[0, 0, 0] : f32 from vector<1x1x1xf32>
    %eq3A_56 = vector.broadcast %reduce_max3A_55 : f32 to vector<1x4096xf32>
    %eq3A_57 = arith.cmpf oeq, %select_n3A_50, %eq3A_56 : vector<1x4096xf32>
    %jit3A_58 = arith.constant 4096 : i32
    %broadcast_in_dim3A_59 = vector.broadcast %jit3A_58 : i32 to vector<1x4096xi32>
    %select_n3A_60 = arith.select %eq3A_57, %iota3A, %broadcast_in_dim3A_59 : vector<1x4096xi1>, vector<1x4096xi32>
    %reduce_min3A_61 = vector.shape_cast %select_n3A_60 : vector<1x4096xi32> to vector<1x1x4096xi32>
    %reduce_min3A_62 = arith.constant dense<2147483647> : vector<1xi32>
    %reduce_min3A_63 = vector.multi_reduction <minsi>, %reduce_min3A_61, %reduce_min3A_62 [1, 2] : vector<1x1x4096xi32> to vector<1xi32>
    %reduce_min3A_64 = vector.shape_cast %reduce_min3A_63 : vector<1xi32> to vector<1x1x1xi32>
    %reduce_min3A_65 = vector.extract %reduce_min3A_64[0, 0, 0] : i32 from vector<1x1x1xi32>
    %eq3A_66 = arith.constant 2 : i32
    %eq3A_67 = vector.broadcast %eq3A_66 : i32 to vector<1x8xi32>
    %eq3A_68 = arith.cmpi eq, %iota3A_4, %eq3A_67 : vector<1x8xi32>
    %broadcast_in_dim3A_69 = vector.broadcast %reduce_min3A_65 : i32 to vector<1x8xi32>
    %select_n3A_70 = arith.select %eq3A_68, %broadcast_in_dim3A_69, %select_n3A_45 : vector<1x8xi1>, vector<1x8xi32>
    %eq3A_71 = vector.broadcast %reduce_min3A_65 : i32 to vector<1x4096xi32>
    %eq3A_72 = arith.cmpi eq, %iota3A, %eq3A_71 : vector<1x4096xi32>
    %jit3A_73 = arith.constant 0xFF800000 : f32
    %broadcast_in_dim3A_74 = vector.broadcast %jit3A_73 : f32 to vector<1x4096xf32>
    %select_n3A_75 = arith.select %eq3A_72, %broadcast_in_dim3A_74, %select_n3A_50 : vector<1x4096xi1>, vector<1x4096xf32>
    %reduce_max3A_76 = vector.shape_cast %select_n3A_75 : vector<1x4096xf32> to vector<1x1x4096xf32>
    %reduce_max3A_77 = arith.constant dense<0xFF800000> : vector<1xf32>
    %reduce_max3A_78 = vector.multi_reduction <maximumf>, %reduce_max3A_76, %reduce_max3A_77 [1, 2] : vector<1x1x4096xf32> to vector<1xf32>
    %reduce_max3A_79 = vector.shape_cast %reduce_max3A_78 : vector<1xf32> to vector<1x1x1xf32>
    %reduce_max3A_80 = vector.extract %reduce_max3A_79[0, 0, 0] : f32 from vector<1x1x1xf32>
    %eq3A_81 = vector.broadcast %reduce_max3A_80 : f32 to vector<1x4096xf32>
    %eq3A_82 = arith.cmpf oeq, %select_n3A_75, %eq3A_81 : vector<1x4096xf32>
    %jit3A_83 = arith.constant 4096 : i32
    %broadcast_in_dim3A_84 = vector.broadcast %jit3A_83 : i32 to vector<1x4096xi32>
    %select_n3A_85 = arith.select %eq3A_82, %iota3A, %broadcast_in_dim3A_84 : vector<1x4096xi1>, vector<1x4096xi32>
    %reduce_min3A_86 = vector.shape_cast %select_n3A_85 : vector<1x4096xi32> to vector<1x1x4096xi32>
    %reduce_min3A_87 = arith.constant dense<2147483647> : vector<1xi32>
    %reduce_min3A_88 = vector.multi_reduction <minsi>, %reduce_min3A_86, %reduce_min3A_87 [1, 2] : vector<1x1x4096xi32> to vector<1xi32>
    %reduce_min3A_89 = vector.shape_cast %reduce_min3A_88 : vector<1xi32> to vector<1x1x1xi32>
    %reduce_min3A_90 = vector.extract %reduce_min3A_89[0, 0, 0] : i32 from vector<1x1x1xi32>
    %eq3A_91 = arith.constant 3 : i32
    %eq3A_92 = vector.broadcast %eq3A_91 : i32 to vector<1x8xi32>
    %eq3A_93 = arith.cmpi eq, %iota3A_4, %eq3A_92 : vector<1x8xi32>
    %broadcast_in_dim3A_94 = vector.broadcast %reduce_min3A_90 : i32 to vector<1x8xi32>
    %select_n3A_95 = arith.select %eq3A_93, %broadcast_in_dim3A_94, %select_n3A_70 : vector<1x8xi1>, vector<1x8xi32>
    %eq3A_96 = vector.broadcast %reduce_min3A_90 : i32 to vector<1x4096xi32>
    %eq3A_97 = arith.cmpi eq, %iota3A, %eq3A_96 : vector<1x4096xi32>
    %jit3A_98 = arith.constant 0xFF800000 : f32
    %broadcast_in_dim3A_99 = vector.broadcast %jit3A_98 : f32 to vector<1x4096xf32>
    %select_n3A_100 = arith.select %eq3A_97, %broadcast_in_dim3A_99, %select_n3A_75 : vector<1x4096xi1>, vector<1x4096xf32>
    %reduce_max3A_101 = vector.shape_cast %select_n3A_100 : vector<1x4096xf32> to vector<1x1x4096xf32>
    %reduce_max3A_102 = arith.constant dense<0xFF800000> : vector<1xf32>
    %reduce_max3A_103 = vector.multi_reduction <maximumf>, %reduce_max3A_101, %reduce_max3A_102 [1, 2] : vector<1x1x4096xf32> to vector<1xf32>
    %reduce_max3A_104 = vector.shape_cast %reduce_max3A_103 : vector<1xf32> to vector<1x1x1xf32>
    %reduce_max3A_105 = vector.extract %reduce_max3A_104[0, 0, 0] : f32 from vector<1x1x1xf32>
    %eq3A_106 = vector.broadcast %reduce_max3A_105 : f32 to vector<1x4096xf32>
    %eq3A_107 = arith.cmpf oeq, %select_n3A_100, %eq3A_106 : vector<1x4096xf32>
    %jit3A_108 = arith.constant 4096 : i32
    %broadcast_in_dim3A_109 = vector.broadcast %jit3A_108 : i32 to vector<1x4096xi32>
    %select_n3A_110 = arith.select %eq3A_107, %iota3A, %broadcast_in_dim3A_109 : vector<1x4096xi1>, vector<1x4096xi32>
    %reduce_min3A_111 = vector.shape_cast %select_n3A_110 : vector<1x4096xi32> to vector<1x1x4096xi32>
    %reduce_min3A_112 = arith.constant dense<2147483647> : vector<1xi32>
    %reduce_min3A_113 = vector.multi_reduction <minsi>, %reduce_min3A_111, %reduce_min3A_112 [1, 2] : vector<1x1x4096xi32> to vector<1xi32>
    %reduce_min3A_114 = vector.shape_cast %reduce_min3A_113 : vector<1xi32> to vector<1x1x1xi32>
    %reduce_min3A_115 = vector.extract %reduce_min3A_114[0, 0, 0] : i32 from vector<1x1x1xi32>
    %eq3A_116 = arith.constant 4 : i32
    %eq3A_117 = vector.broadcast %eq3A_116 : i32 to vector<1x8xi32>
    %eq3A_118 = arith.cmpi eq, %iota3A_4, %eq3A_117 : vector<1x8xi32>
    %broadcast_in_dim3A_119 = vector.broadcast %reduce_min3A_115 : i32 to vector<1x8xi32>
    %select_n3A_120 = arith.select %eq3A_118, %broadcast_in_dim3A_119, %select_n3A_95 : vector<1x8xi1>, vector<1x8xi32>
    %swap3A = arith.constant 0 : index
    %swap3A_121 = arith.constant 0 : index
    %swap3A_122 = arith.constant 0 : index
    %swap3A_123 = vector.load %arg2[%swap3A, %swap3A_121, %swap3A_122] : memref<1x1x8xi32, #tpu.memory_space<vmem>>, vector<1x1x8xi32>
    %swap3A_124 = vector.shape_cast %swap3A_123 : vector<1x1x8xi32> to vector<1x8xi32>
    %swap3A_125 = vector.shape_cast %select_n3A_120 : vector<1x8xi32> to vector<1x1x8xi32>
    tpu.vector_store %arg2[%swap3A, %swap3A_121, %swap3A_122], %swap3A_125 {strides = array<i32>} : memref<1x1x8xi32, #tpu.memory_space<vmem>>, vector<1x1x8xi32>,
    return
  }
  func.func @transform_0(%arg0: i32) -> (i32, i32, i32) {
    %c0_i32 = arith.constant 0 : i32
    %c0_i32_0 = arith.constant 0 : i32
    %c0_i32_1 = arith.constant 0 : i32
    return %arg0, %c0_i32, %c0_i32_0 : i32, i32, i32
  }
  func.func @transform_1(%arg0: i32) -> (i32, i32, i32) {
    %c0_i32 = arith.constant 0 : i32
    %c0_i32_0 = arith.constant 0 : i32
    %c0_i32_1 = arith.constant 0 : i32
    return %arg0, %c0_i32, %c0_i32_0 : i32, i32, i32
  }
}

</mosaic_0001>

<sc_bundles>
// kernel: sparse-core-data-format-call.cloned.1.call-start
scs
called_computation_lowered:
.L_overlay_start_0:
0x0: {  	s2 =	sld [smem:$0x3FD9]  }
0x1: {  	s3 =	sld [smem:$0x3FFE];
	_ =	sdelay $0x1  }
0x2: {  	s1 =	srdreg.scid  }
0x3: {  	s0 =	sand.u32 $0x1, s1  }
0x4: {  	s18 =	sshll.u32 s0, $0xA;
	s2 =	sadd.s32 s3, s2  }
0x5: {  	s2 =	sadd.s32 s2, s18  }
0x6: {  	[smem:$0x3FC6] =	sst s2  }
0x7: {  	_ = 	snop  }
0x8: {  	s2 =	sld [smem:$0x3FC9];
	(tm) =	ssettm $0x1  }
0x9: {  	s19 =	sld [smem:$0x3FFB];
	_ =	sdelay $0x3  }
0xa: {  	_ =	strace s19  }
0xb: {  	s3 =	sld [smem:$0x3FFC];
	_ =	sdelay $0x3  }
0xc: {  	_ =	strace s3  }
0xd: {  	s3 =	sld [smem:$0x3FFD];
	_ =	sdelay $0x3  }
0xe: {  	_ =	strace s3  }
0xf: {  	_ =	strace $0x8FFFFFFF  }
0x10: {  	s20 =	sld [smem:$0x3FDB];
	_ =	sdelay $0x1  }
0x11: {  	s4 =	simm.s32 $_scs_section_size  }
0x12: {  	s5 =	simm.s32 $_size__tile_overlayer_lowered;
	s6 =	simm.s32 $_tile_overlayer_lowered  }
0x13: {  	s23 =	simm.s32 $0x1BFF;
	s22 =	sshll.u32 s6, $0x1;
	s3 =	sadd.s32 s4, s20  }
0x14: {  	s7 =	simm.s32 $0x0;
	s21 =	sshll.u32 s5, $0x1;
	s5 =	sadd.s32 s22, s3  }
0x15: {  	[timem:s7], [sflag:s23] =	dma.local [hbm:s5], s21  }
0x16: {  	_ =	swait.ge [sflag:s23], s21  }
0x17: {  	s4 =	ssub.s32 $0x0, s21;
	[sflag:s23] =	ssyncset.done $0x0  }
0x18: {  	[sflag:s23] =	ssyncadd.s32 s4;
	_ =	sdelay $0x1  }
0x19: {  	s24 =	simm.s32 $0x1B8B  }
0x1a: {  	_ =	swait.ge [sflag:s24], $0x1  }
0x1b: {  	[sflag:s24] =	ssyncset.done $0x0  }
0x1c: {  	s26 =	simm.s32 $0x1B8E;
	s25 =	sld [smem:$0x3FFE];
	[sflag:s24] =	ssyncadd.s32 $0xFFFFFFFF  }
0x1d: {  	s27 =	simm.s32 $execute0_lowered;
	[smem:$0x3FD2] =	sst s26  }
0x1e: {  	s5 =	sshll.u32 s27, $0x1;
	_ =	strace $0x80000046;
	[dreg:$0x1] =	wrdreg $0xFFFFFFFF  }
0x1f: {  	s28 =	simm.s32 $_size_execute0_lowered;
	s3 =	sadd.s32 s3, s5;
	[dreg:$0x0] =	wrdreg $0x0  }
0x20: {  	s5 =	sshll.u32 s28, $0x1;
	[dreg:$0x2] =	wrdreg s3  }
0x21: {  	[dreg:$0x3] =	wrdreg s5  }
0x22: {  	[dreg:$0x4] =	wrdreg $0xC0  }
0x23: {  	_ =	task [dreg:s7], $0x5FFFF  }
0x24: {  	[dreg:$0x1] =	wrdreg $0xFFFFFFFF  }
0x25: {  	[dreg:$0x0] =	wrdreg $0x60  }
0x26: {  	[dreg:$0x2] =	wrdreg s2  }
0x27: {  	[dreg:$0x3] =	wrdreg s25  }
0x28: {  	[dreg:$0x4] =	wrdreg $0x9  }
0x29: {  	_ =	task.clear_ibuf [dreg:s7], $0x5FFFF;
	_ =	strace $0x90000046  }
0x2a: {  	s29 =	simm.s32 $0x9;
	_ =	strace $0x80000048  }
0x2b: {  	_ =	swait.ge [sflag:s29], $0x1  }
0x2c: {  	[sflag:s29] =	ssyncadd.s32 $0xFFFFFFFF  }
0x2d: {  	_ =	strace $0x90000048  }
0x2e: {  	_ =	sfence  }
0x2f: {  	s30 =	sld [smem:$0x0];
	_ =	sdelay $0x2  }
0x30: {  	s31 =	sshll.u32 s1, $0xD;
	s1 =	sshrl.u32 s1, $0x2  }
0x31: {  	s3 =	sand.u32 $0x4000, s31;
	s1 =	sadd.s32 s1, s30  }
0x32: {  	s0 =	sor.u32 s3, s0;
	s1 =	sshll.u32 s1, $0x11  }
0x33: {  	s0 =	sor.u32 s1, s0  }
0x34: {  	s0 =	sadd.s32 $0x8F2B, s0  }
0x35: {  	[sflag:s0] =	ssyncadd.remote.s32 $0x1  }
0x36: {  	_ =	sfence.sel $0xFFFF  }
0x37: {  	[dreg:$0x0] =	wrdreg $0xFFFFFFFF;
	(pc) =	sbr.abs _section_cstart, $3  }
0x38: {  	[dreg:$0x1] =	wrdreg $0xFFFFFFFF  }
0x39: {  	_ =	task.clear_ibuf [dreg:s7], $0x2FFFF;
	_ =	strace $0x9FFFFFFF  }
0x3a: {  	(tm) =	ssettm $0x7FFFFFFF  }
0x3b: {  	_ =	shalt  }
tec
execute0_lowered:
.L_overlay_start_1:
0x0: {  	(tag) =	ssettag $0x1  }
0x1: {  	s2 =	rddreg [dreg:$0x0]  }
0x2: {  	s1 =	rddreg [dreg:$0x1]  }
0x3: {  	s0 =	rddreg [dreg:$0x2]  }
0x4: {  	_ =	strace $0x80000047;
	s4 =	srdreg.scid;
	s6 =	simm.s32 $0x2  }
.Ltmp0:
0x5: {  	p0 =	por $0x0, $0x0;
	s9 =	simm.s32 $0x0;
	(pc) =	sbr.rel .LBB1_1-.Ltmp0, $4  }
0x6: {  	s7 =	simm.s32 $0x0;
	s3 =	sadd.s32 $0x600, s1;
	s5 =	sshll.u32 s4, $0x4  }
0x7: {  	s1 =	stileid.u32;
	s4 =	simm.s32 $0x1;
	s5 =	sand.u32 $0x10, s5  }
0x8: {  	s15 =	simm.s32 $0x0;
	[sflag:s4] =	ssyncpa.u1 $0x0;
	s5 =	sor.u32 s1, s5  }
0x9: {  	[sflag:s6] =	ssyncpa.u1 $0x0;
	s6 =	simm.s32 $0x0;
	s8 =	smov.u32 s5  }
.LBB1_7:
0xa: {  	s11 =	sadd.s32 $0x20, s8  }
0xb: {  	p1 =	slt.u32 s7, $0x2;
	s7 =	sadd.s32 $0x1, s7;
	p2 =	sgt.s32 s11, $0x1FFF  }
0xc: {  	s11 =	smov.u32 @p2 s5;
	p2 =	sne.s32 s7, $0x102  }
.Ltmp1:
0xd: {  	_ = 	snop;
	(pc) =	sbr.rel @!p2 .LBB1_8-.Ltmp1, $4  }
0xe: {  	s10 =	simm.s32 @!p1 $0x2  }
0xf: {  	_ =	swait.ge @!p1 [sflag:s10], $0x4000  }
0x10: {  	s9 =	smov.u32 s8;
	[sflag:s10] =	ssyncset.done @!p1 $0x0  }
0x11: {  	p0 =	por !p0, !p0;
	s8 =	smov.u32 s11;
	[sflag:s10] =	ssyncadd.s32 @!p1 $0xFFFFC000  }
.LBB1_1:
0x12: {  	p1 =	sgt.u32 s7, $0xFF  }
0x13: {  	s10 =	sxor.u32 @!p1 $0xFFFFFFFF, s7  }
0x14: {  	s11 =	sshll.u32 @!p1 s8, $0xB;
	s10 =	sshll.u32 @!p1 s10, $0xE  }
0x15: {  	s12 =	simm.s32 @!p1 $0x0;
	s11 =	sadd.s32 @!p1 s2, s11;
	s10 =	sand.u32 @!p1 $0x4000, s10  }
0x16: {  	[tilespmem:s10], [sflag:$0x1] =	stream.linear.gather @!p1 [hbm4b:s11+s12], $0x4000, $0x38;
	[tilespmem:$0x10000] =	vst v63  }
0x17: {  	p1 =	seq.s32 s7, $0x0  }
0x18: {  	p2 =	seq.s32 @!p1 s7, $0x101  }
0x19: {  	p1 =	por p1, p2  }
.Ltmp2:
0x1a: {  	_ = 	snop;
	(pc) =	sbr.rel @p1 .LBB1_7-.Ltmp2, $1  }
0x1b: {  	_ =	sdelay $0x3  }
0x1c: {  	s10 =	simm.s32 $0x1  }
0x1d: {  	_ =	swait.ge [sflag:s4], $0x4000;
	s11 =	sshll.u32 s7, $0xE;
	p1 =	por $0x0, $0x0  }
0x1e: {  	s16 =	simm.s32 $0x0;
	s17 =	simm.s32 $0x0;
	s10 =	simm.s32 @!p0 $0x0  }
0x1f: {  	[sflag:s4] =	ssyncset.done $0x0;
	s13 =	sand.u32 $0x4000, s11;
	s10 =	sshll.u32 s10, $0x10  }
0x20: {  	[sflag:s4] =	ssyncadd.s32 $0xFFFFC000;
	s11 =	sor.u32 $0x8000, s13;
	s14 =	sshrl.u32 s10, $0x2  }
0x21: {  	s10 =	sor.u32 $0x40, s14;
	s12 =	sor.u32 $0x8410, s14;
	s14 =	sadd.s32 $0x8400, s14  }
.LBB1_3:
0x22: {  	v1 =	vld [tilespmem:s10+$0xFFFFFFD0]  }
0x23: {  	v2 =	vld [tilespmem:s10+$0x430]  }
0x24: {  	s18 =	sshll.u32 s17, $0xB;
	v4 =	vld [tilespmem:s10+$0xFFFFFFE0]  }
0x25: {  	v7 =	vld [tilespmem:s10+$0xFFFFFFF0];
	v0 =	vmov s18  }
0x26: {  	v8 =	vld [tilespmem:s10+$0x0]  }
0x27: {  	s30 =	sand.u32 $0x300, s15;
	v9 =	vld [tilespmem:s10+$0x10]  }
0x28: {  	s19 =	sand.u32 $0x80, s15;
	v10 =	vld [tilespmem:s10+$0x20];
	s18 =	sadd.s32 s30, s13  }
0x29: {  	v11 =	vld [tilespmem:s10+$0x30];
	s18 =	sadd.s32 s19, s18;
	s19 =	simm.s32 $0x1;
	[tilespmem:s12+$0x60] =	vst v2  }
0x2a: {  	s31 =	sshll.u32 s16, $0x2;
	s19 =	simm.s32 @!p1 $0x0;
	[tilespmem:s12+$0xFFFFFC00] =	vst v1;
	v3 =	vld.idx.msk [tilespmem:v0+s18+$0x400 ss:$0x1], $0xffff  }
0x2b: {  	v6 =	vld [tilespmem:s10+$0x3D0];
	s19 =	sshll.u32 s19, $0x9;
	[tilespmem:s12+$0xFFFFFC10] =	vst v4;
	s18 =	sand.u32 $0xFFFFFC00, s31  }
0x2c: {  	v5 =	vld [tilespmem:s10+$0x3E0];
	[tilespmem:s12+$0xFFFFFC20] =	vst v7;
	s18 =	sor.u32 s19, s18  }
0x2d: {  	[tilespmem:s12+$0xFFFFFC30] =	vst v8;
	v4 =	vld [tilespmem:s10+$0x400];
	s18 =	sshrl.u32 s18, $0x2  }
0x2e: {  	[tilespmem:s12+$0xFFFFFC40] =	vst v9;
	v1 =	vld [tilespmem:s10+$0x410];
	s18 =	sadd.s32 s18, s14  }
0x2f: {  	[tilespmem:s18+$0x0] =	vst v3;
	v3 =	vld [tilespmem:s10+$0x3F0]  }
0x30: {  	s22 =	simm.s32 $0x80;
	s21 =	simm.s32 $0x100;
	[tilespmem:s12+$0xFFFFFC50] =	vst v10;
	v2 =	vld [tilespmem:s10+$0x420]  }
0x31: {  	s20 =	smov.u32 s12;
	s23 =	sand.u32 $0x300, s22;
	v7 =	vld [tilespmem:s10+$0xFFFFFFC0];
	[tilespmem:s12+$0xFFFFFC60] =	vst v11;
	s19 =	sadd.s32 $0x80, s10  }
.LBB1_4:
0x32: {  	p2 =	sne.s32 s21, $0x380;
	v8 =	vld [tilespmem:s19+$0xFFFFFFD0];
	s22 =	sand.u32 $0x80, s22;
	s23 =	sadd.s32 s23, s13;
	[tilespmem:s20+$0x0] =	vst v6  }
0x33: {  	s23 =	sadd.s32 s22, s23;
	v6 =	vld [tilespmem:s19+$0x430];
	[tilespmem:s20+$0x10] =	vst v5;
	s22 =	smov.u32 s21  }
0x34: {  	v5 =	vld.idx.msk [tilespmem:v0+s23+$0x400 ss:$0x1], $0xffff;
	[tilespmem:s20+$0x20] =	vst v3  }
0x35: {  	v3 =	vld [tilespmem:s19+$0xFFFFFFE0];
	[tilespmem:s20+$0x30] =	vst v4  }
0x36: {  	v4 =	vld [tilespmem:s19+$0xFFFFFFF0];
	[tilespmem:s20+$0xFFFFFBF0] =	vst v7  }
0x37: {  	v7 =	vld [tilespmem:s19+$0x0];
	[tilespmem:s20+$0x40] =	vst v1  }
0x38: {  	v1 =	vld [tilespmem:s19+$0x10];
	[tilespmem:s20+$0x50] =	vst v2;
	s20 =	sadd.s32 $0x800, s20  }
0x39: {  	s18 =	sadd.s32 $0x800, s18;
	v2 =	vld [tilespmem:s19+$0x20];
	[tilespmem:s20+$0x60] =	vst v6  }
0x3a: {  	v9 =	vld [tilespmem:s19+$0x30];
	[tilespmem:s18+$0x0] =	vst v5  }
0x3b: {  	[tilespmem:s20+$0xFFFFFC00] =	vst v8;
	v6 =	vld [tilespmem:s19+$0x3D0]  }
0x3c: {  	[tilespmem:s20+$0xFFFFFC10] =	vst v3;
	v5 =	vld [tilespmem:s19+$0x3E0]  }
.Ltmp3:
0x3d: {  	[tilespmem:s20+$0xFFFFFC20] =	vst v4;
	v3 =	vld [tilespmem:s19+$0x3F0];
	(pc) =	sbr.rel @p2 .LBB1_4-.Ltmp3, $4  }
0x3e: {  	[tilespmem:s20+$0xFFFFFC30] =	vst v7;
	v4 =	vld [tilespmem:s19+$0x400]  }
0x3f: {  	[tilespmem:s20+$0xFFFFFC40] =	vst v1;
	v1 =	vld [tilespmem:s19+$0x410]  }
0x40: {  	[tilespmem:s20+$0xFFFFFC50] =	vst v2;
	v2 =	vld [tilespmem:s19+$0x420]  }
0x41: {  	s21 =	sadd.s32 $0x80, s21;
	s23 =	sand.u32 $0x300, s22;
	v7 =	vld [tilespmem:s19+$0xFFFFFFC0];
	[tilespmem:s20+$0xFFFFFC60] =	vst v9;
	s19 =	sadd.s32 $0x80, s19  }
0x42: {  	[tilespmem:s20+$0x0] =	vst v6  }
0x43: {  	[tilespmem:s20+$0x10] =	vst v5  }
0x44: {  	v49 =	vld [tilespmem:s19+$0x430];
	[tilespmem:s20+$0x20] =	vst v3  }
0x45: {  	v50 =	vld [tilespmem:s19+$0xFFFFFFD0];
	[tilespmem:s20+$0x30] =	vst v4  }
0x46: {  	v51 =	vld [tilespmem:s19+$0xFFFFFFE0];
	[tilespmem:s20+$0x40] =	vst v1  }
0x47: {  	v52 =	vld [tilespmem:s19+$0xFFFFFFF0];
	[tilespmem:s20+$0x50] =	vst v2  }
0x48: {  	s31 =	sadd.s32 $0x800, s20;
	v53 =	vld [tilespmem:s19+$0x0];
	[tilespmem:s20+$0xFFFFFBF0] =	vst v7  }
0x49: {  	v54 =	vld [tilespmem:s19+$0x10];
	[tilespmem:s31+$0x60] =	vst v49  }
0x4a: {  	v55 =	vld [tilespmem:s19+$0x20];
	[tilespmem:s31+$0xFFFFFC00] =	vst v50  }
0x4b: {  	v56 =	vld [tilespmem:s19+$0x30];
	[tilespmem:s31+$0xFFFFFC10] =	vst v51  }
0x4c: {  	v57 =	vld [tilespmem:s19+$0x3D0];
	[tilespmem:s31+$0xFFFFFC20] =	vst v52  }
0x4d: {  	v58 =	vld [tilespmem:s19+$0x3E0];
	[tilespmem:s31+$0xFFFFFC30] =	vst v53  }
0x4e: {  	v59 =	vld [tilespmem:s19+$0x3F0];
	[tilespmem:s31+$0xFFFFFC40] =	vst v54  }
0x4f: {  	v60 =	vld [tilespmem:s19+$0x400];
	[tilespmem:s31+$0xFFFFFC50] =	vst v55  }
0x50: {  	v61 =	vld [tilespmem:s19+$0xFFFFFFC0];
	[tilespmem:s31+$0xFFFFFC60] =	vst v56  }
0x51: {  	s21 =	sand.u32 $0x80, s22;
	s30 =	sadd.s32 s23, s13;
	v62 =	vld [tilespmem:s19+$0x410];
	[tilespmem:s31+$0x0] =	vst v57  }
0x52: {  	v63 =	vld [tilespmem:s19+$0x420];
	s17 =	sadd.s32 $0x1, s17;
	s21 =	sadd.s32 s21, s30;
	[tilespmem:s31+$0x10] =	vst v58  }
0x53: {  	p2 =	sne.s32 s17, $0x8;
	v0 =	vld.idx.msk [tilespmem:v0+s21+$0x400 ss:$0x1], $0xffff;
	[tilespmem:s31+$0x20] =	vst v59  }
.Ltmp4:
0x54: {  	[tilespmem:s31+$0x30] =	vst v60;
	(pc) =	sbr.rel @p2 .LBB1_3-.Ltmp4, $4  }
0x55: {  	[tilespmem:s31+$0xFFFFFBF0] =	vst v61  }
0x56: {  	[tilespmem:s31+$0x40] =	vst v62  }
0x57: {  	s18 =	sadd.s32 $0x800, s18;
	s10 =	sadd.s32 $0x800, s10;
	[tilespmem:s31+$0x50] =	vst v63  }
0x58: {  	s16 =	sadd.s32 $0x80, s16;
	p1 =	por !p1, !p1;
	s12 =	sadd.s32 $0x80, s12;
	[tilespmem:s18+$0x0] =	vst v0  }
.Ltmp5:
0x59: {  	(pc) =	sbr.rel .LBB1_7-.Ltmp5, $4  }
0x5a: {  	_ = 	snop  }
0x5b: {  	s9 =	sshll.u32 s9, $0xB  }
0x5c: {  	s9 =	sadd.s32 s3, s9  }
0x5d: {  	[hbm4b:s9+s6] =	stream.linear.scatter [tilespmem:s11], [sflag:$0x2], $0x4000, $0x38;
	[tilespmem:$0x10000] =	vst v63  }
.LBB1_8:
0x5e: {  	_ =	sfence.sel $0x180000  }
0x5f: {  	s2 =	simm.s32 $0x1;
	[bflag:$0x0] =	sbarrier.arrive $0xFFFF  }
0x60: {  	s31 =	simm.s32 $0x2;
	[sflag:s2] =	ssyncpa.u1 $0x1  }
0x61: {  	[sflag:s31] =	ssyncpa.u1 $0x1  }
0x62: {  	p0 =	sne.s32 s1, $0x0;
	_ =	strace $0x90000047  }
0x63: {  	s0 =	sadd.s32 @!p0 $0x100000, s0;
	[bflag:$0x2] =	sbarrier.arrive $0xFFFF  }
0x64: {  	[sflag:s0] =	ssyncadd.tile.s32 @!p0 $0x1;
	_ =	shalt  }
.Lfunc_end1:
_tile_overlayer_lowered:
.L_overlay_start_2:
0x65: {  	(tag) =	ssettag $0x2  }
0x66: {  	s0 =	rddreg [dreg:$0x0];
	s2 =	stileid.u32  }
0x67: {  	s1 =	rddreg [dreg:$0x1];
	p0 =	sne.s32 s2, $0x0  }
0x68: {  	s3 =	rddreg [dreg:$0x2];
	[bflag:$0x3] =	sbarrier.arrive $0xFFFF;
	s2 =	simm.s32 @!p0 $0x1C01  }
0x69: {  	[timem:s3], [sflag:s2] =	dma.local @!p0 [hbm:s0], s1  }
0x6a: {  	s0 =	simm.s32 @!p0 $0x1  }
0x6b: {  	_ =	swait.ge @!p0 [sflag:s0], s1  }
0x6c: {  	s1 =	ssub.s32 @!p0 $0x0, s1;
	[sflag:s0] =	ssyncset.done @!p0 $0x0  }
0x6d: {  	[sflag:s0] =	ssyncadd.s32 @!p0 s1  }
0x6e: {  	[bflag:$0x3] =	sbarrier.arrive $0xFFFF  }
0x6f: {  	_ =	shalt  }

</sc_bundles>
